<compile_context>
chip_gen: v7x
topology: tpu7x:2x2x1
jax: 0.10.2.dev20260603
libtpu: 0.0.44.dev20260713+nightly
codegen_flags: <defaults>
</compile_context>

<pallas_src>
import functools

import jax
import jax.numpy as jnp
from jax import lax
from jax.experimental import pallas as pl
from jax.experimental.pallas import tpu as pltpu
from jax.experimental.pallas import tpu_sc as plsc

LANES = 16


@functools.lru_cache(maxsize=None)
def _make_warp(B, C, H, W):
    info = plsc.get_sparse_core_info()
    NW = info.num_cores * info.num_subcores
    NPAIRS = B * H
    assert NPAIRS % NW == 0
    PPW = NPAIRS // NW
    NCHUNK = W // LANES

    mesh = plsc.VectorSubcoreMesh(core_axis_name="c", subcore_axis_name="s")

    @functools.partial(
        pl.kernel,
        mesh=mesh,
        compiler_params=pltpu.CompilerParams(
            use_tc_tiling_on_sc=False, needs_layout_passes=False
        ),
        out_type=jax.ShapeDtypeStruct((B, C, H * W), jnp.float32),
        scratch_types=[
            pltpu.VMEM((W,), jnp.float32),
            pltpu.VMEM((C, W), jnp.float32),
            pltpu.VMEM((C, W), jnp.float32),
        ],
    )
    def warp(right_hbm, disp_hbm, out_hbm, disp_v, in_v, out_v):
        wid = lax.axis_index("s") * info.num_cores + lax.axis_index("c")

        def pair_body(k, carry):
            p = wid * PPW + k
            b = p // H
            h = p % H
            pltpu.sync_copy(disp_hbm.at[b, pl.ds(h * W, W)], disp_v)
            pltpu.sync_copy(right_hbm.at[b, :, pl.ds(h * W, W)], in_v)

            def chunk_body(j, carry2):
                wi = lax.iota(jnp.int32, 16) + j * LANES
                y = wi.astype(jnp.float32) + disp_v[pl.ds(j * LANES, LANES)]
                t = y.astype(jnp.int32).astype(jnp.float32)
                fl = jnp.where(t > y, t - 1.0, t)
                ia = jnp.clip(fl.astype(jnp.int32), 0, W - 1)
                ib = jnp.minimum(ia + 1, W - 1)
                inb = (y >= 0.0) & (y <= jnp.float32(W - 1))
                zero = jnp.zeros((LANES,), jnp.float32)
                wa = jnp.where(inb, (fl + 1.0) - y, zero)
                wb = jnp.where(inb, y - fl, zero)

                def c_body(c, carry3):
                    cs = jnp.full((LANES,), c, jnp.int32)
                    va = plsc.load_gather(in_v, [cs, ia])
                    vb = plsc.load_gather(in_v, [cs, ib])
                    plsc.store_scatter(out_v, [cs, wi], wa * va + wb * vb)
                    return carry3

                return lax.fori_loop(0, C, c_body, carry2)

            lax.fori_loop(0, NCHUNK, chunk_body, 0)
            pltpu.sync_copy(out_v, out_hbm.at[b, :, pl.ds(h * W, W)])
            return carry

        lax.fori_loop(0, PPW, pair_body, 0)

    return warp


def kernel(right_input, disparity_samples):
    B, C, H, W = right_input.shape
    warp = _make_warp(B, C, H, W)
    r2 = right_input.reshape(B, C, H * W)
    d2 = disparity_samples.reshape(B, H * W)
    out = warp(r2, d2)
    return out.reshape(B, C, H, W)

# --- scband reference (transcript-rebuilt; emitter-appended) ---
"""Pipeline reference for scband-spatial-transformer-11879879541358 (READ-ONLY COPY).

The authoritative reference and input builder live on the scoring server;
editing this copy changes nothing except your own understanding.
"""

import jax, jax.numpy as jnp
import numpy as np


def setup_inputs(seed: int = 0) -> dict:
    key = jax.random.key(seed)
    k1, k2 = jax.random.split(key)
    B, C, H, W = 4, 64, 256, 512
    right_input = jax.random.normal(k1, (B, C, H, W), dtype=jnp.float32)
    disparity_samples = jax.random.normal(k2, (B, 1, H, W), dtype=jnp.float32)
    return {"right_input": right_input, "disparity_samples": disparity_samples}


def reference(right_input, disparity_samples):
    B, C, H, W = right_input.shape
    # left_y_coordinate: arange(W) repeated over H -> (1,1,H,W)
    left_y = jnp.arange(0.0, W, dtype=jnp.float32).reshape(1, 1, 1, W)
    left_y = jnp.broadcast_to(left_y, (1, 1, H, W))
    right_y = left_y + disparity_samples  # (B,1,H,W)
    right_y_a = jnp.floor(right_y)
    right_y_b = right_y_a + 1.0
    wa = right_y_b - right_y
    wb = right_y - right_y_a
    wa = jnp.broadcast_to(wa, (B, C, H, W))
    wb = jnp.broadcast_to(wb, (B, C, H, W))
    idx_a = jnp.clip(right_y_a.astype(jnp.int32), 0, W - 1)
    idx_b = jnp.clip(right_y_b.astype(jnp.int32), 0, W - 1)
    idx_a = jnp.broadcast_to(idx_a, (B, C, H, W))
    idx_b = jnp.broadcast_to(idx_b, (B, C, H, W))
    warped_a = jnp.take_along_axis(right_input, idx_a, axis=3)
    warped_b = jnp.take_along_axis(right_input, idx_b, axis=3)
    warped = wa * warped_a + wb * warped_b
    right_y_1 = jnp.broadcast_to(right_y, (B, C, H, W))
    oob = (right_y_1 < 0).astype(jnp.float32) + (right_y_1 > jnp.float32(W - 1)).astype(jnp.float32)
    warped = (1.0 - oob) * warped + jnp.zeros_like(warped)
    return warped

if __name__ == "__main__":
    import jax
    _d = setup_inputs()
    print(jax.jit(kernel)(*tuple(_d.values())))

</pallas_src>

<mosaic_0001>
#map = affine_map<(d0, d1) -> (0, 0, 0)>
#map1 = affine_map<(d0, d1) -> (0, 0)>
module attributes {stable_mosaic.version = 14 : i64} {
  func.func @warp(%arg0: i32, %arg1: i32, %arg2: memref<4x64x131072xf32, #tpu.memory_space<hbm>>, %arg3: memref<4x131072xf32, #tpu.memory_space<hbm>>, %arg4: memref<4x64x131072xf32, #tpu.memory_space<hbm>>, %arg5: memref<512xf32, #tpu.memory_space<vmem>>, %arg6: memref<64x512xf32, #tpu.memory_space<vmem>>, %arg7: memref<64x512xf32, #tpu.memory_space<vmem>>) attributes {dimension_semantics = [#tpu.dimension_semantics<core_parallel>, #tpu.dimension_semantics<subcore_parallel>], iteration_bounds = array<i64: 2, 16>, scalar_prefetch = 0 : i64, scratch_operands = 3 : i64, tpu.core_type = #tpu.core_type<sc_vector_subcore>, window_params = [{transform_indices = #map}, {transform_indices = #map1}, {transform_indices = #map}]} {
    %mul3A = arith.constant 2 : i32
    %mul3A_0 = arith.muli %arg1, %mul3A : i32
    %add3A = arith.addi %mul3A_0, %arg0 : i32
    %scan3A = arith.constant 0 : i32
    %scan3A_1 = arith.constant 0 : i32
    %scan3A_2 = arith.constant 32 : i32
    %scan3A_3 = arith.addi %scan3A_1, %scan3A_2 : i32
    %scan3A_4 = arith.constant 1 : i32
    scf.for %scan3A_6 = %scan3A_1 to %scan3A_3 step %scan3A_4  : i32 {
      %mul3A_7 = arith.constant 32 : i32
      %mul3A_8 = arith.muli %add3A, %mul3A_7 : i32
      %add3A_9 = arith.addi %mul3A_8, %scan3A_6 : i32
      %jit3A = arith.constant 256 : i32
      %div3A = arith.divsi %add3A_9, %jit3A : i32
      %sign3A = arith.constant 0 : i32
      %sign3A_10 = arith.cmpi sgt, %add3A_9, %sign3A : i32
      %sign3A_11 = arith.extui %sign3A_10 : i1 to i32
      %sign3A_12 = arith.constant 0 : i32
      %sign3A_13 = arith.cmpi slt, %add3A_9, %sign3A_12 : i32
      %sign3A_14 = arith.extui %sign3A_13 : i1 to i32
      %sign3A_15 = arith.subi %sign3A_11, %sign3A_14 : i32
      %sign3A_16 = arith.constant 0 : i32
      %sign3A_17 = arith.cmpi sgt, %jit3A, %sign3A_16 : i32
      %sign3A_18 = arith.extui %sign3A_17 : i1 to i32
      %sign3A_19 = arith.constant 0 : i32
      %sign3A_20 = arith.cmpi slt, %jit3A, %sign3A_19 : i32
      %sign3A_21 = arith.extui %sign3A_20 : i1 to i32
      %sign3A_22 = arith.subi %sign3A_18, %sign3A_21 : i32
      %ne3A = arith.cmpi ne, %sign3A_15, %sign3A_22 : i32
      %rem3A = arith.remsi %add3A_9, %jit3A : i32
      %ne3A_23 = arith.constant 0 : i32
      %ne3A_24 = arith.cmpi ne, %rem3A, %ne3A_23 : i32
      %and3A = arith.andi %ne3A, %ne3A_24 : i1
      %sub3A = arith.constant 1 : i32
      %sub3A_25 = arith.subi %div3A, %sub3A : i32
      %select_n3A = arith.select %and3A, %sub3A_25, %div3A : i32
      %jit3A_26 = arith.constant 256 : i32
      %eq3A = arith.constant 0 : i32
      %eq3A_27 = arith.cmpi eq, %jit3A_26, %eq3A : i32
      %jit3A_28 = arith.constant 1 : i32
      %select_n3A_29 = arith.select %eq3A_27, %jit3A_28, %jit3A_26 : i32
      %rem3A_30 = arith.remsi %add3A_9, %select_n3A_29 : i32
      %ne3A_31 = arith.constant 0 : i32
      %ne3A_32 = arith.cmpi ne, %rem3A_30, %ne3A_31 : i32
      %lt3A = arith.constant 0 : i32
      %lt3A_33 = arith.cmpi slt, %rem3A_30, %lt3A : i32
      %lt3A_34 = arith.constant 0 : i32
      %lt3A_35 = arith.cmpi slt, %select_n3A_29, %lt3A_34 : i32
      %ne3A_36 = arith.xori %lt3A_33, %lt3A_35 : i1
      %and3A_37 = arith.andi %ne3A_36, %ne3A_32 : i1
      %add3A_38 = arith.addi %rem3A_30, %select_n3A_29 : i32
      %select_n3A_39 = arith.select %and3A_37, %add3A_38, %rem3A_30 : i32
      %mul3A_40 = arith.constant 512 : i32
      %mul3A_41 = arith.muli %select_n3A_39, %mul3A_40 : i32
      "tpu.region"() ({
        %run_scoped3A = tpu.sem_alloc : memref<!tpu.dma_semaphore, #tpu.memory_space<semaphore_mem>>
        %dma_start3A = tpu.memref_slice %arg3[%select_n3A, %mul3A_41] : memref<4x131072xf32, #tpu.memory_space<hbm>> -> memref<1x512xf32, #tpu.memory_space<hbm>>
        %dma_start3A_52 = tpu.memref_squeeze %dma_start3A : memref<1x512xf32, #tpu.memory_space<hbm>> -> memref<512xf32, #tpu.memory_space<hbm>>
        %dma_start3A_53 = tpu.memref_slice %arg3[%select_n3A, %mul3A_41] : memref<4x131072xf32, #tpu.memory_space<hbm>> -> memref<1x512xf32, #tpu.memory_space<hbm>>
        %dma_start3A_54 = tpu.memref_squeeze %dma_start3A_53 : memref<1x512xf32, #tpu.memory_space<hbm>> -> memref<512xf32, #tpu.memory_space<hbm>>
        tpu.enqueue_dma source(%dma_start3A_54 : memref<512xf32, #tpu.memory_space<hbm>>) target(%arg5 : memref<512xf32, #tpu.memory_space<vmem>>) target_semaphore(%run_scoped3A : memref<!tpu.dma_semaphore, #tpu.memory_space<semaphore_mem>>)
        %dma_wait3A = tpu.memref_slice %arg3[%select_n3A, %mul3A_41] : memref<4x131072xf32, #tpu.memory_space<hbm>> -> memref<1x512xf32, #tpu.memory_space<hbm>>
        %dma_wait3A_55 = tpu.memref_squeeze %dma_wait3A : memref<1x512xf32, #tpu.memory_space<hbm>> -> memref<512xf32, #tpu.memory_space<hbm>>
        %dma_wait3A_56 = tpu.memref_slice %arg3[%select_n3A, %mul3A_41] : memref<4x131072xf32, #tpu.memory_space<hbm>> -> memref<1x512xf32, #tpu.memory_space<hbm>>
        %dma_wait3A_57 = tpu.memref_squeeze %dma_wait3A_56 : memref<1x512xf32, #tpu.memory_space<hbm>> -> memref<512xf32, #tpu.memory_space<hbm>>
        tpu.wait_dma2 semaphore(%run_scoped3A : memref<!tpu.dma_semaphore, #tpu.memory_space<semaphore_mem>>) src(%dma_wait3A_57 : memref<512xf32, #tpu.memory_space<hbm>>) dst(%arg5 : memref<512xf32, #tpu.memory_space<vmem>>)
        tpu.yield
      }) : () -> ()
      %mul3A_42 = arith.constant 512 : i32
      %mul3A_43 = arith.muli %select_n3A_39, %mul3A_42 : i32
      "tpu.region"() ({
        %run_scoped3A = tpu.sem_alloc : memref<!tpu.dma_semaphore, #tpu.memory_space<semaphore_mem>>
        %dma_start3A = arith.constant 0 : i32
        %dma_start3A_52 = tpu.memref_slice %arg2[%select_n3A, %dma_start3A, %mul3A_43] : memref<4x64x131072xf32, #tpu.memory_space<hbm>> -> memref<1x64x512xf32, #tpu.memory_space<hbm>>
        %dma_start3A_53 = tpu.memref_squeeze %dma_start3A_52 : memref<1x64x512xf32, #tpu.memory_space<hbm>> -> memref<64x512xf32, #tpu.memory_space<hbm>>
        %dma_start3A_54 = arith.constant 0 : i32
        %dma_start3A_55 = tpu.memref_slice %arg2[%select_n3A, %dma_start3A_54, %mul3A_43] : memref<4x64x131072xf32, #tpu.memory_space<hbm>> -> memref<1x64x512xf32, #tpu.memory_space<hbm>>
        %dma_start3A_56 = tpu.memref_squeeze %dma_start3A_55 : memref<1x64x512xf32, #tpu.memory_space<hbm>> -> memref<64x512xf32, #tpu.memory_space<hbm>>
        tpu.enqueue_dma source(%dma_start3A_56 : memref<64x512xf32, #tpu.memory_space<hbm>>) target(%arg6 : memref<64x512xf32, #tpu.memory_space<vmem>>) target_semaphore(%run_scoped3A : memref<!tpu.dma_semaphore, #tpu.memory_space<semaphore_mem>>)
        %dma_wait3A = arith.constant 0 : i32
        %dma_wait3A_57 = tpu.memref_slice %arg2[%select_n3A, %dma_wait3A, %mul3A_43] : memref<4x64x131072xf32, #tpu.memory_space<hbm>> -> memref<1x64x512xf32, #tpu.memory_space<hbm>>
        %dma_wait3A_58 = tpu.memref_squeeze %dma_wait3A_57 : memref<1x64x512xf32, #tpu.memory_space<hbm>> -> memref<64x512xf32, #tpu.memory_space<hbm>>
        %dma_wait3A_59 = arith.constant 0 : i32
        %dma_wait3A_60 = tpu.memref_slice %arg2[%select_n3A, %dma_wait3A_59, %mul3A_43] : memref<4x64x131072xf32, #tpu.memory_space<hbm>> -> memref<1x64x512xf32, #tpu.memory_space<hbm>>
        %dma_wait3A_61 = tpu.memref_squeeze %dma_wait3A_60 : memref<1x64x512xf32, #tpu.memory_space<hbm>> -> memref<64x512xf32, #tpu.memory_space<hbm>>
        tpu.wait_dma2 semaphore(%run_scoped3A : memref<!tpu.dma_semaphore, #tpu.memory_space<semaphore_mem>>) src(%dma_wait3A_61 : memref<64x512xf32, #tpu.memory_space<hbm>>) dst(%arg6 : memref<64x512xf32, #tpu.memory_space<vmem>>)
        tpu.yield
      }) : () -> ()
      %scan3A_44 = arith.constant 0 : i32
      %scan3A_45 = arith.constant 0 : i32
      %scan3A_46 = arith.constant 32 : i32
      %scan3A_47 = arith.addi %scan3A_45, %scan3A_46 : i32
      %scan3A_48 = arith.constant 1 : i32
      scf.for %scan3A_52 = %scan3A_45 to %scan3A_47 step %scan3A_48  : i32 {
        %iota3A = tpu.iota {dimensions = array<i32: 0>} : vector<16xi32>
        %mul3A_53 = arith.constant 16 : i32
        %mul3A_54 = arith.muli %scan3A_52, %mul3A_53 : i32
        %add3A_55 = vector.broadcast %mul3A_54 : i32 to vector<16xi32>
        %add3A_56 = arith.addi %iota3A, %add3A_55 : vector<16xi32>
        %convert_element_type3A = arith.sitofp %add3A_56 : vector<16xi32> to vector<16xf32>
        %mul3A_57 = arith.constant 16 : i32
        %mul3A_58 = arith.muli %scan3A_52, %mul3A_57 : i32
        %get3A = arith.index_cast %mul3A_58 : i32 to index
        %get3A_59 = tpu.vector_load %arg5[%get3A] {strides = array<i32>} : memref<512xf32, #tpu.memory_space<vmem>>, vector<16xf32>,
        %add3A_60 = arith.addf %convert_element_type3A, %get3A_59 : vector<16xf32>
        %convert_element_type3A_61 = arith.fptosi %add3A_60 : vector<16xf32> to vector<16xi32>
        %convert_element_type3A_62 = arith.sitofp %convert_element_type3A_61 : vector<16xi32> to vector<16xf32>
        %gt3A = arith.cmpf ogt, %convert_element_type3A_62, %add3A_60 : vector<16xf32>
        %sub3A_63 = arith.constant 1.000000e+00 : f32
        %sub3A_64 = vector.broadcast %sub3A_63 : f32 to vector<16xf32>
        %sub3A_65 = arith.subf %convert_element_type3A_62, %sub3A_64 : vector<16xf32>
        %select_n3A_66 = arith.select %gt3A, %sub3A_65, %convert_element_type3A_62 : vector<16xi1>, vector<16xf32>
        %convert_element_type3A_67 = arith.fptosi %select_n3A_66 : vector<16xf32> to vector<16xi32>
        %jit3A_68 = arith.constant 0 : i32
        %jit3A_69 = arith.constant 511 : i32
        %max3A = vector.broadcast %jit3A_68 : i32 to vector<16xi32>
        %max3A_70 = arith.maxsi %max3A, %convert_element_type3A_67 : vector<16xi32>
        %min3A = vector.broadcast %jit3A_69 : i32 to vector<16xi32>
        %min3A_71 = arith.minsi %min3A, %max3A_70 : vector<16xi32>
        %add3A_72 = arith.constant 1 : i32
        %add3A_73 = vector.broadcast %add3A_72 : i32 to vector<16xi32>
        %add3A_74 = arith.addi %min3A_71, %add3A_73 : vector<16xi32>
        %min3A_75 = arith.constant 511 : i32
        %min3A_76 = vector.broadcast %min3A_75 : i32 to vector<16xi32>
        %min3A_77 = arith.minsi %add3A_74, %min3A_76 : vector<16xi32>
        %ge3A = arith.constant 0.000000e+00 : f32
        %ge3A_78 = vector.broadcast %ge3A : f32 to vector<16xf32>
        %ge3A_79 = arith.cmpf oge, %add3A_60, %ge3A_78 : vector<16xf32>
        %le3A = arith.constant 5.110000e+02 : f32
        %le3A_80 = vector.broadcast %le3A : f32 to vector<16xf32>
        %le3A_81 = arith.cmpf ole, %add3A_60, %le3A_80 : vector<16xf32>
        %and3A_82 = arith.andi %ge3A_79, %le3A_81 : vector<16xi1>
        %broadcast_in_dim3A = arith.constant 0.000000e+00 : f32
        %broadcast_in_dim3A_83 = vector.broadcast %broadcast_in_dim3A : f32 to vector<16xf32>
        %add3A_84 = arith.constant 1.000000e+00 : f32
        %add3A_85 = vector.broadcast %add3A_84 : f32 to vector<16xf32>
        %add3A_86 = arith.addf %select_n3A_66, %add3A_85 : vector<16xf32>
        %sub3A_87 = arith.subf %add3A_86, %add3A_60 : vector<16xf32>
        %select_n3A_88 = arith.select %and3A_82, %sub3A_87, %broadcast_in_dim3A_83 : vector<16xi1>, vector<16xf32>
        %sub3A_89 = arith.subf %add3A_60, %select_n3A_66 : vector<16xf32>
        %select_n3A_90 = arith.select %and3A_82, %sub3A_89, %broadcast_in_dim3A_83 : vector<16xi1>, vector<16xf32>
        %scan3A_91 = arith.constant 0 : i32
        %scan3A_92 = arith.constant 64 : i32
        %scan3A_93 = arith.addi %scan3A_91, %scan3A_92 : i32
        %scan3A_94 = arith.constant 1 : i32
        scf.for %scan3A_96 = %scan3A_91 to %scan3A_93 step %scan3A_94  : i32 {
          %broadcast_in_dim3A_97 = vector.broadcast %scan3A_96 : i32 to vector<16xi32>
          %gather3A = tpu.vector_load_idx %arg6[%broadcast_in_dim3A_97, %min3A_71] : memref<64x512xf32, #tpu.memory_space<vmem>>[vector<16xi32>, vector<16xi32>], vector<16xf32>,
          %gather3A_98 = tpu.vector_load_idx %arg6[%broadcast_in_dim3A_97, %min3A_77] : memref<64x512xf32, #tpu.memory_space<vmem>>[vector<16xi32>, vector<16xi32>], vector<16xf32>,
          %mul3A_99 = arith.mulf %select_n3A_88, %gather3A : vector<16xf32>
          %mul3A_100 = arith.mulf %select_n3A_90, %gather3A_98 : vector<16xf32>
          %add3A_101 = arith.addf %mul3A_99, %mul3A_100 : vector<16xf32>
          tpu.vector_store_idx %arg7[%broadcast_in_dim3A_97, %add3A_56], %add3A_101 : memref<64x512xf32, #tpu.memory_space<vmem>>[vector<16xi32>, vector<16xi32>], vector<16xf32>,
        }
        %scan3A_95 = arith.constant 64 : i32
      }
      %scan3A_49 = arith.constant 32 : i32
      %mul3A_50 = arith.constant 512 : i32
      %mul3A_51 = arith.muli %select_n3A_39, %mul3A_50 : i32
      "tpu.region"() ({
        %run_scoped3A = tpu.sem_alloc : memref<!tpu.dma_semaphore, #tpu.memory_space<semaphore_mem>>
        %dma_start3A = arith.constant 0 : i32
        %dma_start3A_52 = tpu.memref_slice %arg4[%select_n3A, %dma_start3A, %mul3A_51] : memref<4x64x131072xf32, #tpu.memory_space<hbm>> -> memref<1x64x512xf32, #tpu.memory_space<hbm>>
        %dma_start3A_53 = tpu.memref_squeeze %dma_start3A_52 : memref<1x64x512xf32, #tpu.memory_space<hbm>> -> memref<64x512xf32, #tpu.memory_space<hbm>>
        %dma_start3A_54 = arith.constant 0 : i32
        %dma_start3A_55 = tpu.memref_slice %arg4[%select_n3A, %dma_start3A_54, %mul3A_51] : memref<4x64x131072xf32, #tpu.memory_space<hbm>> -> memref<1x64x512xf32, #tpu.memory_space<hbm>>
        %dma_start3A_56 = tpu.memref_squeeze %dma_start3A_55 : memref<1x64x512xf32, #tpu.memory_space<hbm>> -> memref<64x512xf32, #tpu.memory_space<hbm>>
        tpu.enqueue_dma source(%arg7 : memref<64x512xf32, #tpu.memory_space<vmem>>) target(%dma_start3A_56 : memref<64x512xf32, #tpu.memory_space<hbm>>) target_semaphore(%run_scoped3A : memref<!tpu.dma_semaphore, #tpu.memory_space<semaphore_mem>>)
        %dma_wait3A = arith.constant 0 : i32
        %dma_wait3A_57 = tpu.memref_slice %arg4[%select_n3A, %dma_wait3A, %mul3A_51] : memref<4x64x131072xf32, #tpu.memory_space<hbm>> -> memref<1x64x512xf32, #tpu.memory_space<hbm>>
        %dma_wait3A_58 = tpu.memref_squeeze %dma_wait3A_57 : memref<1x64x512xf32, #tpu.memory_space<hbm>> -> memref<64x512xf32, #tpu.memory_space<hbm>>
        %dma_wait3A_59 = arith.constant 0 : i32
        %dma_wait3A_60 = tpu.memref_slice %arg4[%select_n3A, %dma_wait3A_59, %mul3A_51] : memref<4x64x131072xf32, #tpu.memory_space<hbm>> -> memref<1x64x512xf32, #tpu.memory_space<hbm>>
        %dma_wait3A_61 = tpu.memref_squeeze %dma_wait3A_60 : memref<1x64x512xf32, #tpu.memory_space<hbm>> -> memref<64x512xf32, #tpu.memory_space<hbm>>
        tpu.wait_dma2 semaphore(%run_scoped3A : memref<!tpu.dma_semaphore, #tpu.memory_space<semaphore_mem>>) src(%arg7 : memref<64x512xf32, #tpu.memory_space<vmem>>) dst(%dma_wait3A_61 : memref<64x512xf32, #tpu.memory_space<hbm>>)
        tpu.yield
      }) : () -> ()
    }
    %scan3A_5 = arith.constant 32 : i32
    return
  }
}

</mosaic_0001>

<sc_bundles>
// kernel: kernel.3.cloned.1.call-start
scs
__scs_entry_jumppad:
0x0: {  	(pc) =	sbr.rel $0x88, $3  }
0x1: {  	(tag) =	ssettag $0x0;
	lr =	simm.s32 $0x1  }
0x2: {  	[smem:$0x3F9F] =	sst lr;
	_ =	strace $0xD0000000  }
0x3: {  	_ = 	snop  }
0x4: {  	_ = 	snop  }
0x5: {  	_ = 	snop  }
0x6: {  	_ = 	snop  }
0x7: {  	_ = 	snop  }
__scs_overlays_trampoline_lowered:
0x8: {  	[smem:$0x3FAE] =	sst s0  }
0x9: {  	[smem:$0x3FAF] =	sst s1  }
0xa: {  	[smem:$0x3FB0] =	sst s2  }
0xb: {  	[smem:$0x3FB1] =	sst s3  }
0xc: {  	[smem:$0x3FB2] =	sst s4  }
0xd: {  	[smem:$0x3FB3] =	sst s5  }
0xe: {  	[smem:$0x3FB4] =	sst s6  }
0xf: {  	[smem:$0x3FB5] =	sst s7  }
0x10: {  	[smem:$0x3FB6] =	sst s8  }
0x11: {  	[smem:$0x3FB7] =	sst s9;
	s0 =	simm.s32 @!p0 $0x0  }
0x12: {  	s1 =	sld [smem:$0x3F9D];
	s0 =	simm.s32 @p0 $0x1  }
0x13: {  	[smem:$0x3FB8] =	sst s0;
	s0 =	simm.s32 @!p1 $0x0  }
0x14: {  	s2 =	sld [smem:$0x3F9C];
	s0 =	simm.s32 @p1 $0x1  }
0x15: {  	[smem:$0x3FB9] =	sst s0;
	s0 =	simm.s32 @!p2 $0x0  }
0x16: {  	s3 =	sld [smem:$0x3FDB];
	s0 =	simm.s32 @p2 $0x1  }
0x17: {  	s4 =	simm.s32 $0x1BF5;
	[smem:$0x3FBB] =	sst s0  }
0x18: {  	s0 =	sld [smem:$0x3F9E];
	_ =	swait.ge [sflag:s4], $0x0  }
0x19: {  	s7 =	sld [smem:$0x3F9F]  }
0x1a: {  	s8 =	sadd.s32 $0xFFFFE003, lr  }
0x1b: {  	s9 =	sadd.s32 $0xFFFFFEF7, lr;
	s5 =	simm.s32 $0xFFFFFFFF;
	p2 =	slt.u32 s8, $0xFFFFF086  }
0x1c: {  	p1 =	slt.u32 s9, $0xF7A;
	s5 =	simm.s32 @!p2 $0x0  }
0x1d: {  	s5 =	simm.s32 @p1 $0x1;
	p0 =	seq.s32 s7, s2  }
0x1e: {  	s7 =	smul.u32 @!p0 $0xF7A, s2;
	p2 =	seq.s32 @!p0 s5, $0x0  }
0x1f: {  	s9 =	smul.u32 $0xF7A, s1;
	s8 =	simm.s32 @!p0 $0x1BF5;
	p2 =	por !p2, p0  }
0x20: {  	[sflag:s8] =	ssyncset.s32 @!p0 $0xFFFFF086;
	s6 =	sadd.s32 @!p0 s3, s7;
	s7 =	simm.s32 @!p0 $0x108  }
0x21: {  	s3 =	sadd.s32 s3, s9;
	s6 =	sadd.s32 @!p0 $0x88, s6;
	s7 =	simm.s32 @p2 $0x1082  }
0x22: {  	[simem:s7], [sflag:s8] =	dma.local @!p0 [hbm:s6], $0xF7A  }
0x23: {  	s9 =	sor.u32 $0xD0000000, s2;
	s6 =	simm.s32 $0x108;
	_ =	swait.ge @!p0 [sflag:s8], $0x0  }
0x24: {  	s3 =	sadd.s32 $0x88, s3;
	s6 =	simm.s32 @!p1 $0x1082;
	[sflag:s4] =	ssyncset.s32 $0xFFFFF086  }
0x25: {  	[simem:s6], [sflag:s4] =	dma.local [hbm:s3], $0xF7A  }
0x26: {  	[smem:$0x3F9F] =	sst s1;
	(tag) =	ssettag s2;
	_ =	strace s9  }
0x27: {  	s1 =	sld [smem:$0x3FAF]  }
0x28: {  	s2 =	sld [smem:$0x3FB0]  }
0x29: {  	s4 =	sld [smem:$0x3FB2]  }
0x2a: {  	p0 =	seq.s32 s5, $0x0;
	s5 =	sld [smem:$0x3FB3]  }
0x2b: {  	s6 =	sld [smem:$0x3FB4]  }
0x2c: {  	s7 =	sld [smem:$0x3FB5]  }
0x2d: {  	s3 =	simm.s32 $0x108;
	s8 =	sld [smem:$0x3FB6]  }
0x2e: {  	s3 =	simm.s32 @!p0 $0x1082;
	s9 =	sld [smem:$0x3FB7]  }
0x2f: {  	lr =	sadd.s32 s0, s3;
	s0 =	sld [smem:$0x3FAE]  }
0x30: {  	s3 =	sld [smem:$0x3FB1]  }
0x31: {  	[smem:$0x3FBA] =	sst s10  }
0x32: {  	s10 =	sld [smem:$0x3FB8];
	_ =	sdelay $0x3  }
0x33: {  	p0 =	seq.s32 s10, $0x1;
	s10 =	sld [smem:$0x3FBA];
	_ =	sdelay $0x3  }
0x34: {  	[smem:$0x3FBA] =	sst s10  }
0x35: {  	s10 =	sld [smem:$0x3FB9];
	_ =	sdelay $0x3  }
0x36: {  	p1 =	seq.s32 s10, $0x1;
	s10 =	sld [smem:$0x3FBA];
	_ =	sdelay $0x3  }
0x37: {  	[smem:$0x3FBA] =	sst s10  }
0x38: {  	s10 =	sld [smem:$0x3FBB]  }
0x39: {  	_ = 	snop;
	(pc) =	sbr.ind lr, $3  }
0x3a: {  	_ = 	snop  }
0x3b: {  	_ = 	snop  }
0x3c: {  	p2 =	seq.s32 s10, $0x1;
	s10 =	sld [smem:$0x3FBA]  }
0x3d: {  	_ =	shalt  }
0x3e: {  	_ =	shalt  }
0x3f: {  	_ =	shalt  }
0x40: {  	_ =	shalt  }
0x41: {  	_ =	shalt  }
0x42: {  	_ =	shalt  }
0x43: {  	_ =	shalt  }
0x44: {  	_ =	shalt  }
0x45: {  	_ =	shalt  }
0x46: {  	_ =	shalt  }
0x47: {  	_ =	shalt  }
0x48: {  	_ =	shalt  }
0x49: {  	_ =	shalt  }
0x4a: {  	_ =	shalt  }
0x4b: {  	_ =	shalt  }
0x4c: {  	_ =	shalt  }
0x4d: {  	_ =	shalt  }
0x4e: {  	_ =	shalt  }
0x4f: {  	_ =	shalt  }
0x50: {  	_ =	shalt  }
0x51: {  	_ =	shalt  }
0x52: {  	_ =	shalt  }
0x53: {  	_ =	shalt  }
0x54: {  	_ =	shalt  }
0x55: {  	_ =	shalt  }
0x56: {  	_ =	shalt  }
0x57: {  	_ =	shalt  }
0x58: {  	_ =	shalt  }
0x59: {  	_ =	shalt  }
0x5a: {  	_ =	shalt  }
0x5b: {  	_ =	shalt  }
0x5c: {  	_ =	shalt  }
0x5d: {  	_ =	shalt  }
0x5e: {  	_ =	shalt  }
0x5f: {  	_ =	shalt  }
0x60: {  	_ =	shalt  }
0x61: {  	_ =	shalt  }
0x62: {  	_ =	shalt  }
0x63: {  	_ =	shalt  }
0x64: {  	_ =	shalt  }
0x65: {  	_ =	shalt  }
0x66: {  	_ =	shalt  }
0x67: {  	_ =	shalt  }
0x68: {  	_ =	shalt  }
0x69: {  	_ =	shalt  }
0x6a: {  	_ =	shalt  }
0x6b: {  	_ =	shalt  }
0x6c: {  	_ =	shalt  }
0x6d: {  	_ =	shalt  }
0x6e: {  	_ =	shalt  }
0x6f: {  	_ =	shalt  }
0x70: {  	_ =	shalt  }
0x71: {  	_ =	shalt  }
0x72: {  	_ =	shalt  }
0x73: {  	_ =	shalt  }
0x74: {  	_ =	shalt  }
0x75: {  	_ =	shalt  }
0x76: {  	_ =	shalt  }
0x77: {  	_ =	shalt  }
0x78: {  	_ =	shalt  }
0x79: {  	_ =	shalt  }
0x7a: {  	_ =	shalt  }
0x7b: {  	_ =	shalt  }
0x7c: {  	_ =	shalt  }
0x7d: {  	_ =	shalt  }
0x7e: {  	_ =	shalt  }
0x7f: {  	_ =	shalt  }
0x80: {  	_ =	shalt  }
0x81: {  	_ =	shalt  }
0x82: {  	_ =	shalt  }
0x83: {  	_ =	shalt  }
0x84: {  	_ =	shalt  }
0x85: {  	_ =	shalt  }
0x86: {  	_ =	shalt  }
0x87: {  	_ =	shalt  }
.Lfunc_end0:
.L_simem_size_0:
called_computation.1_lowered:
.L_overlay_start_0:
0x88: {  	s2 =	sld [smem:$0x3FD9]  }
0x89: {  	s3 =	sld [smem:$0x3FFE];
	_ =	sdelay $0x1  }
0x8a: {  	s1 =	srdreg.scid  }
0x8b: {  	s0 =	sand.u32 $0x1, s1  }
0x8c: {  	s17 =	sshll.u32 s0, $0xA;
	s2 =	sadd.s32 s3, s2  }
0x8d: {  	s2 =	sadd.s32 s2, s17  }
0x8e: {  	[smem:$0x3FC6] =	sst s2  }
0x8f: {  	_ = 	snop  }
0x90: {  	s2 =	sld [smem:$0x3FD0];
	(tm) =	ssettm $0x1  }
0x91: {  	s18 =	sld [smem:$0x3FFB];
	_ =	sdelay $0x3  }
0x92: {  	_ =	strace s18  }
0x93: {  	s3 =	sld [smem:$0x3FFC];
	_ =	sdelay $0x3  }
0x94: {  	_ =	strace s3  }
0x95: {  	s3 =	sld [smem:$0x3FFD];
	_ =	sdelay $0x3  }
0x96: {  	_ =	strace s3  }
0x97: {  	_ =	strace $0x8FFFFFFF  }
0x98: {  	s19 =	sld [smem:$0x3FDB];
	_ =	sdelay $0x1  }
0x99: {  	s4 =	simm.s32 $_scs_section_size  }
0x9a: {  	s5 =	simm.s32 $_size__tile_overlayer_lowered;
	s6 =	simm.s32 $_tile_overlayer_lowered  }
0x9b: {  	s22 =	simm.s32 $0x1BFF;
	s21 =	sshll.u32 s6, $0x1;
	s3 =	sadd.s32 s4, s19  }
0x9c: {  	s7 =	simm.s32 $0x0;
	s20 =	sshll.u32 s5, $0x1;
	s5 =	sadd.s32 s21, s3  }
0x9d: {  	[timem:s7], [sflag:s22] =	dma.local [hbm:s5], s20  }
0x9e: {  	_ =	swait.ge [sflag:s22], s20  }
0x9f: {  	s4 =	ssub.s32 $0x0, s20;
	[sflag:s22] =	ssyncset.done $0x0  }
0xa0: {  	[sflag:s22] =	ssyncadd.s32 s4;
	_ =	sdelay $0x1  }
0xa1: {  	s23 =	simm.s32 $0x1B8B  }
0xa2: {  	_ =	swait.ge [sflag:s23], $0x1  }
0xa3: {  	[sflag:s23] =	ssyncset.done $0x0  }
0xa4: {  	s25 =	simm.s32 $0x1B8E;
	s24 =	sld [smem:$0x3FFE];
	[sflag:s23] =	ssyncadd.s32 $0xFFFFFFFF  }
0xa5: {  	s26 =	simm.s32 $execute0_lowered;
	[smem:$0x3FD2] =	sst s25  }
0xa6: {  	s5 =	sshll.u32 s26, $0x1;
	_ =	strace $0x80000049;
	[dreg:$0x1] =	wrdreg $0xFFFFFFFF  }
0xa7: {  	s28 =	simm.s32 $_size_execute0_lowered;
	s3 =	sadd.s32 s3, s5;
	[dreg:$0x0] =	wrdreg $0x0  }
0xa8: {  	s5 =	sshll.u32 s28, $0x1;
	[dreg:$0x2] =	wrdreg s3  }
0xa9: {  	[dreg:$0x3] =	wrdreg s5  }
0xaa: {  	[dreg:$0x4] =	wrdreg $0xC0  }
0xab: {  	_ =	task [dreg:s7], $0x5FFFF  }
0xac: {  	[dreg:$0x1] =	wrdreg $0xFFFFFFFF  }
0xad: {  	[dreg:$0x0] =	wrdreg $0x60  }
0xae: {  	[dreg:$0x2] =	wrdreg s2  }
0xaf: {  	[dreg:$0x3] =	wrdreg s24  }
0xb0: {  	[dreg:$0x4] =	wrdreg $0x9  }
0xb1: {  	_ =	task.clear_ibuf [dreg:s7], $0x5FFFF;
	_ =	strace $0x90000049  }
0xb2: {  	s29 =	simm.s32 $0x9;
	_ =	strace $0x8000004B  }
0xb3: {  	_ =	swait.ge [sflag:s29], $0x1  }
0xb4: {  	[sflag:s29] =	ssyncadd.s32 $0xFFFFFFFF  }
0xb5: {  	_ =	strace $0x9000004B  }
0xb6: {  	_ =	sfence  }
0xb7: {  	s30 =	sld [smem:$0x0];
	_ =	sdelay $0x2  }
0xb8: {  	s31 =	sshll.u32 s1, $0xD;
	s1 =	sshrl.u32 s1, $0x2  }
0xb9: {  	s3 =	sand.u32 $0x4000, s31;
	s1 =	sadd.s32 s1, s30  }
0xba: {  	s0 =	sor.u32 s3, s0;
	s1 =	sshll.u32 s1, $0x11  }
0xbb: {  	s0 =	sor.u32 s1, s0  }
0xbc: {  	s0 =	sadd.s32 $0x8F2B, s0  }
0xbd: {  	[sflag:s0] =	ssyncadd.remote.s32 $0x1  }
0xbe: {  	_ =	sfence.sel $0xFFFF  }
0xbf: {  	[dreg:$0x0] =	wrdreg $0xFFFFFFFF;
	(pc) =	sbr.abs _section_cstart, $3  }
0xc0: {  	[dreg:$0x1] =	wrdreg $0xFFFFFFFF  }
0xc1: {  	_ =	task.clear_ibuf [dreg:s7], $0x2FFFF;
	_ =	strace $0x9FFFFFFF  }
0xc2: {  	(tm) =	ssettm $0x7FFFFFFF  }
0xc3: {  	_ =	shalt  }
tec
execute0_lowered:
.L_overlay_start_1:
0x0: {  	(tag) =	ssettag $0x1  }
0x1: {  	s1 =	rddreg [dreg:$0x0]  }
0x2: {  	s5 =	rddreg [dreg:$0x1]  }
0x3: {  	s0 =	rddreg [dreg:$0x2];
	s2 =	simm.s32 $0x0;
	s3 =	srdreg.scid  }
0x4: {  	s13 =	simm.s32 $0x8200;
	[smem:$0x7FF] =	sst s2;
	s6 =	sand.u32 $0x1, s3  }
0x5: {  	s4 =	sadd.s32 $0xA00, s5;
	s3 =	stileid.u32;
	s5 =	sadd.s32 $0x10A00, s5  }
0x6: {  	_ =	strace $0x8000004A;
	s7 =	ssub.s32 $0x2, s6;
	s9 =	sshll.u32 s3, $0x6  }
0x7: {  	s10 =	sshrl.u32 s3, $0x2;
	s11 =	sshll.u32 s6, $0x5;
	s8 =	sshrl.u32 s7, $0x1  }
0x8: {  	s9 =	sand.u32 $0xC0, s9;
	s6 =	sshll.u32 s10, $0x11;
	s12 =	ssub.s32 s7, s8  }
0x9: {  	v0 =	vlaneseq.u32;
	s7 =	sor.u32 s11, s9;
	s8 =	sshll.u32 s10, $0x17;
	s10 =	simm.s32 $0x1  }
0xa: {  	v1 =	vor.u32 $0x1F8, v0;
	s11 =	simm.s32 $0x20000;
	s9 =	smax.u32 s12, $0x1;
	s12 =	simm.s32 $0x200  }
.LBB2_1:
0xb: {  	s14 =	simm.s32 $0x0  }
.LBB2_2:
0xc: {  	s15 =	sadd.s32 s7, s14  }
0xd: {  	s16 =	sshll.u32 s15, $0x9  }
0xe: {  	s15 =	sadd.s32 s6, s16  }
0xf: {  	s15 =	sshrl.u32 s15, $0x3  }
0x10: {  	s17 =	sadd.s32 s4, s15;
	s15 =	simm.s32 $0x0  }
0x11: {  	[tilespmem:s15], [sflag:$0x1] =	stream.linear.gather [hbm4b:s17+s15], $0x200, $0x38;
	[tilespmem:$0x10200] =	vst v63  }
0x12: {  	s16 =	sadd.s32 s8, s16;
	_ =	swait.ge [sflag:s10], $0x200  }
0x13: {  	s16 =	sshrl.u32 s16, $0x3;
	[sflag:s10] =	ssyncset.done $0x0  }
0x14: {  	s31 =	sadd.s32 s1, s16;
	[sflag:s10] =	ssyncadd.s32 $0xFFFFFE00  }
0x15: {  	[tilespmem:s12], [sflag:$0x1] =	stream.strided.gather [hbm4b:s31+s12], $0x8000, s11, s12, $0x38;
	[tilespmem:$0x10200] =	vst v63  }
0x16: {  	_ =	swait.ge [sflag:s10], $0x8000  }
0x17: {  	[sflag:s10] =	ssyncset.done $0x0  }
0x18: {  	[sflag:s10] =	ssyncadd.s32 $0xFFFF8000  }
.LBB2_3:
0x19: {  	s17 =	sshll.u32 s15, $0x4  }
0x1a: {  	v2 =	vld [tilespmem:s17+$0x0];
	_ =	sdelay $0x1  }
0x1b: {  	v4 =	vor.u32 s17, v0  }
0x1c: {  	v3 =	vcvt.s32.f32 v4;
	_ =	sdelay $0x1  }
0x1d: {  	v5 =	vadd.f32 v3, v2;
	_ =	sdelay $0x1  }
0x1e: {  	v2 =	vtrunc.f32 v5  }
0x1f: {  	v2 =	vcvt.f32.s32 v2;
	_ =	sdelay $0x1  }
0x20: {  	v2 =	vcvt.s32.f32 v2;
	_ =	sdelay $0x1  }
0x21: {  	v3 =	vadd.f32 $-1.000000000e+00, v2  }
0x22: {  	vm0 =	vlt.f32 v5, v2  }
0x23: {  	v6 =	vsel vm0, v3, v2  }
0x24: {  	v2 =	vtrunc.f32 v6  }
0x25: {  	v2 =	vcvt.f32.s32 v2;
	_ =	sdelay $0x1  }
0x26: {  	vm14 =	vgt.s32 v2, $0x0  }
0x27: {  	v3 =	vnsel vm14, $0x0, v2  }
0x28: {  	s18 =	simm.s32 $0x0;
	v2 =	vmin.u32 v3, $0x1FF;
	v3 =	vmin.u32 v3, $0x1FE  }
0x29: {  	v3 =	vadd.s32 $0x1, v3;
	v7 =	vor.u32 s18, v2  }
0x2a: {  	v8 =	vadd.s32 s18, v3;
	_ =	sdelay $0x3  }
0x2b: {  	v9 =	vld.idx.msk [tilespmem:v7+s12+$0x0], $0xffff  }
0x2c: {  	v7 =	vadd.f32 $1.000000000e+00, v6;
	v10 =	vld.idx.msk [tilespmem:v8+s12+$0x0], $0xffff  }
0x2d: {  	vm15 =	vge.f32 v5, $0.0e+00  }
0x2e: {  	vm1 =	vle.f32 v5, $5.110000000e+02;
	v8 =	vsub.f32 v5, v6;
	v7 =	vsub.f32 v7, v5  }
0x2f: {  	vm0 =	vmand vm15, vm1;
	v6 =	vand.u32 v1, v4  }
0x30: {  	s17 =	simm.s32 $0x200;
	v5 =	vnsel vm0, $0x0, v8;
	v4 =	vnsel vm0, $0x0, v7;
	v7 =	vor.u32 s18, v6  }
0x31: {  	v8 =	vor.u32 s17, v2;
	s18 =	simm.s32 $0x2;
	v9 =	vmul.f32 v9, v4;
	v10 =	vmul.f32 v10, v5  }
.LBB2_4:
0x32: {  	p0 =	sne.s32 s18, $0x3F;
	v11 =	vadd.s32 s17, v3  }
0x33: {  	v9 =	vadd.f32 v10, v9;
	_ =	sdelay $0x1  }
0x34: {  	[tilespmem:v7+s13+$0x0] =	vst.idx.msk $0xffff, v9  }
0x35: {  	v9 =	vld.idx.msk [tilespmem:v8+s12+$0x0], $0xffff  }
0x36: {  	v10 =	vld.idx.msk [tilespmem:v11+s12+$0x0], $0xffff;
	_ =	sdelay $0x1  }
.Ltmp0:
0x37: {  	(pc) =	sbr.rel @p0 .LBB2_4-.Ltmp0, $3  }
0x38: {  	_ =	sdelay $0x1  }
0x39: {  	v7 =	vor.u32 s17, v6;
	s17 =	sshll.u32 s18, $0x9  }
0x3a: {  	s18 =	sadd.s32 $0x1, s18;
	v8 =	vor.u32 s17, v2;
	v9 =	vmul.f32 v9, v4;
	v10 =	vmul.f32 v10, v5  }
0x3b: {  	_ = 	snop  }
0x3c: {  	v2 =	vadd.s32 s17, v3  }
0x3d: {  	v3 =	vadd.f32 v10, v9;
	_ =	sdelay $0x1  }
0x3e: {  	[tilespmem:v7+s13+$0x0] =	vst.idx.msk $0xffff, v3  }
0x3f: {  	v3 =	vld.idx.msk [tilespmem:v8+s12+$0x0], $0xffff  }
0x40: {  	v2 =	vld.idx.msk [tilespmem:v2+s12+$0x0], $0xffff;
	_ =	sdelay $0x2  }
0x41: {  	s15 =	sadd.s32 $0x1, s15  }
0x42: {  	v6 =	vor.u32 s17, v6;
	p0 =	sne.s32 s15, $0x20  }
.Ltmp1:
0x43: {  	v3 =	vmul.f32 v3, v4;
	v2 =	vmul.f32 v2, v5;
	(pc) =	sbr.rel @p0 .LBB2_3-.Ltmp1, $3  }
0x44: {  	_ = 	snop  }
0x45: {  	v2 =	vadd.f32 v2, v3;
	_ =	sdelay $0x1  }
0x46: {  	[tilespmem:v6+s13+$0x0] =	vst.idx.msk $0xffff, v2  }
0x47: {  	s14 =	sadd.s32 $0x1, s14  }
0x48: {  	p0 =	sne.s32 s14, $0x20  }
.Ltmp2:
0x49: {  	s15 =	sadd.s32 s5, s16;
	(pc) =	sbr.rel @p0 .LBB2_2-.Ltmp2, $4  }
0x4a: {  	[hbm4b:s15+s12] =	stream.strided.scatter [tilespmem:s13], [sflag:$0x1], $0x8000, s11, s12, $0x38;
	[tilespmem:$0x10200] =	vst v63  }
0x4b: {  	_ =	swait.ge [sflag:s10], $0x8000  }
0x4c: {  	[sflag:s10] =	ssyncset.done $0x0  }
0x4d: {  	[sflag:s10] =	ssyncadd.s32 $0xFFFF8000  }
0x4e: {  	s2 =	sadd.s32 $0x1, s2  }
0x4f: {  	p0 =	sne.s32 s2, s9  }
.Ltmp3:
0x50: {  	_ = 	snop;
	(pc) =	sbr.rel @p0 .LBB2_1-.Ltmp3, $1  }
0x51: {  	_ =	sdelay $0x3  }
0x52: {  	_ =	sfence.sel $0x180000  }
0x53: {  	[bflag:$0x0] =	sbarrier.arrive $0xFFFF  }
0x54: {  	p0 =	sne.s32 s3, $0x0;
	_ =	strace $0x9000004A  }
0x55: {  	s0 =	sadd.s32 @!p0 $0x100000, s0;
	[bflag:$0x2] =	sbarrier.arrive $0xFFFF  }
0x56: {  	[sflag:s0] =	ssyncadd.tile.s32 @!p0 $0x1;
	_ =	shalt  }
.Lfunc_end2:
_tile_overlayer_lowered:
.L_overlay_start_2:
0x57: {  	(tag) =	ssettag $0x2  }
0x58: {  	s0 =	rddreg [dreg:$0x0];
	s2 =	stileid.u32  }
0x59: {  	s1 =	rddreg [dreg:$0x1];
	p0 =	sne.s32 s2, $0x0  }
0x5a: {  	s3 =	rddreg [dreg:$0x2];
	[bflag:$0x3] =	sbarrier.arrive $0xFFFF;
	s2 =	simm.s32 @!p0 $0x1C01  }
0x5b: {  	[timem:s3], [sflag:s2] =	dma.local @!p0 [hbm:s0], s1  }
0x5c: {  	s0 =	simm.s32 @!p0 $0x1  }
0x5d: {  	_ =	swait.ge @!p0 [sflag:s0], s1  }
0x5e: {  	s1 =	ssub.s32 @!p0 $0x0, s1;
	[sflag:s0] =	ssyncset.done @!p0 $0x0  }
0x5f: {  	[sflag:s0] =	ssyncadd.s32 @!p0 s1  }
0x60: {  	[bflag:$0x3] =	sbarrier.arrive $0xFFFF  }
0x61: {  	_ =	shalt  }

// kernel: sparse-core-data-format-call.cloned.1.call-start
scs
called_computation_lowered:
.L_overlay_start_0:
0x0: {  	s2 =	sld [smem:$0x3FD9]  }
0x1: {  	s3 =	sld [smem:$0x3FFE];
	_ =	sdelay $0x1  }
0x2: {  	s1 =	srdreg.scid  }
0x3: {  	s0 =	sand.u32 $0x1, s1  }
0x4: {  	s19 =	sshll.u32 s0, $0xA;
	s2 =	sadd.s32 s3, s2  }
0x5: {  	s2 =	sadd.s32 s2, s19  }
0x6: {  	[smem:$0x3FC6] =	sst s2  }
0x7: {  	_ = 	snop  }
0x8: {  	s2 =	sld [smem:$0x3FC9]  }
0x9: {  	s20 =	sld [smem:$0x3FD0];
	(tm) =	ssettm $0x1  }
0xa: {  	s4 =	sld [smem:$0x3FFB];
	_ =	sdelay $0x3  }
0xb: {  	_ =	strace s4  }
0xc: {  	s4 =	sld [smem:$0x3FFC];
	_ =	sdelay $0x3  }
0xd: {  	_ =	strace s4  }
0xe: {  	s4 =	sld [smem:$0x3FFD];
	_ =	sdelay $0x3  }
0xf: {  	_ =	strace s4  }
0x10: {  	_ =	strace $0x8FFFFFFF  }
0x11: {  	s21 =	sld [smem:$0x3FDB];
	_ =	sdelay $0x1  }
0x12: {  	s5 =	simm.s32 $_scs_section_size  }
0x13: {  	s6 =	simm.s32 $_size__tile_overlayer_lowered;
	s7 =	simm.s32 $_tile_overlayer_lowered  }
0x14: {  	s24 =	simm.s32 $0x1BFF;
	s23 =	sshll.u32 s7, $0x1;
	s4 =	sadd.s32 s5, s21  }
0x15: {  	s8 =	simm.s32 $0x0;
	s22 =	sshll.u32 s6, $0x1;
	s6 =	sadd.s32 s23, s4  }
0x16: {  	[timem:s8], [sflag:s24] =	dma.local [hbm:s6], s22  }
0x17: {  	_ =	swait.ge [sflag:s24], s22  }
0x18: {  	s5 =	ssub.s32 $0x0, s22;
	[sflag:s24] =	ssyncset.done $0x0  }
0x19: {  	[sflag:s24] =	ssyncadd.s32 s5;
	_ =	sdelay $0x1  }
0x1a: {  	s25 =	simm.s32 $0x1B8B  }
0x1b: {  	_ =	swait.ge [sflag:s25], $0x1  }
0x1c: {  	[sflag:s25] =	ssyncset.done $0x0  }
0x1d: {  	s26 =	simm.s32 $0x1B8E;
	[sflag:s25] =	ssyncadd.s32 $0xFFFFFFFF  }
0x1e: {  	s27 =	simm.s32 $execute0_lowered;
	[smem:$0x3FD2] =	sst s26  }
0x1f: {  	s5 =	sshll.u32 s27, $0x1;
	_ =	strace $0x80000046;
	[dreg:$0x1] =	wrdreg $0xFFFFFFFF  }
0x20: {  	s28 =	simm.s32 $_size_execute0_lowered;
	s4 =	sadd.s32 s4, s5;
	[dreg:$0x0] =	wrdreg $0x0  }
0x21: {  	s5 =	sshll.u32 s28, $0x1;
	[dreg:$0x2] =	wrdreg s4  }
0x22: {  	[dreg:$0x3] =	wrdreg s5  }
0x23: {  	[dreg:$0x4] =	wrdreg $0xC0  }
0x24: {  	_ =	task [dreg:s8], $0x5FFFF  }
0x25: {  	[dreg:$0x1] =	wrdreg $0xFFFFFFFF  }
0x26: {  	[dreg:$0x0] =	wrdreg $0x60  }
0x27: {  	[dreg:$0x2] =	wrdreg s2  }
0x28: {  	[dreg:$0x3] =	wrdreg s20  }
0x29: {  	[dreg:$0x4] =	wrdreg $0x9  }
0x2a: {  	_ =	task.clear_ibuf [dreg:s8], $0x5FFFF;
	_ =	strace $0x90000046  }
0x2b: {  	s29 =	simm.s32 $0x9;
	_ =	strace $0x80000048  }
0x2c: {  	_ =	swait.ge [sflag:s29], $0x1  }
0x2d: {  	[sflag:s29] =	ssyncadd.s32 $0xFFFFFFFF  }
0x2e: {  	_ =	strace $0x90000048  }
0x2f: {  	_ =	sfence  }
0x30: {  	s30 =	sld [smem:$0x0];
	_ =	sdelay $0x2  }
0x31: {  	s31 =	sshll.u32 s1, $0xD;
	s1 =	sshrl.u32 s1, $0x2  }
0x32: {  	s3 =	sand.u32 $0x4000, s31;
	s1 =	sadd.s32 s1, s30  }
0x33: {  	s0 =	sor.u32 s3, s0;
	s1 =	sshll.u32 s1, $0x11  }
0x34: {  	s0 =	sor.u32 s1, s0  }
0x35: {  	s0 =	sadd.s32 $0x8F2B, s0  }
0x36: {  	[sflag:s0] =	ssyncadd.remote.s32 $0x1  }
0x37: {  	_ =	sfence.sel $0xFFFF  }
0x38: {  	[dreg:$0x0] =	wrdreg $0xFFFFFFFF;
	(pc) =	sbr.abs _section_cstart, $3  }
0x39: {  	[dreg:$0x1] =	wrdreg $0xFFFFFFFF  }
0x3a: {  	_ =	task.clear_ibuf [dreg:s8], $0x2FFFF;
	_ =	strace $0x9FFFFFFF  }
0x3b: {  	(tm) =	ssettm $0x7FFFFFFF  }
tec
execute0_lowered:
.L_overlay_start_1:
0x0: {  	(tag) =	ssettag $0x1  }
0x1: {  	s0 =	srdreg.scid  }
0x2: {  	s1 =	sshll.u32 s0, $0x4  }
0x3: {  	s2 =	rddreg [dreg:$0x0];
	s0 =	stileid.u32;
	s1 =	sand.u32 $0x10, s1  }
0x4: {  	s4 =	rddreg [dreg:$0x1];
	s1 =	sor.u32 s0, s1  }
0x5: {  	s7 =	simm.s32 $0x1;
	s8 =	simm.s32 $0x2;
	s3 =	sshll.u32 s1, $0x2  }
0x6: {  	s9 =	simm.s32 $0x0;
	s12 =	simm.s32 $0x0;
	s6 =	ssub.s32 $0x2000, s3  }
.Ltmp0:
0x7: {  	s11 =	simm.s32 $0x0;
	s5 =	sand.u32 $0x7C, s6;
	(pc) =	sbr.rel .LBB1_1-.Ltmp0, $4  }
0x8: {  	s1 =	rddreg [dreg:$0x2];
	_ =	strace $0x80000047;
	p0 =	sne.s32 s5, $0x0  }
0x9: {  	s6 =	sshrl.u32 s6, $0x7;
	s5 =	simm.s32 $0x1;
	s7 =	simm.s32 @!p0 $0x0  }
0xa: {  	s10 =	smov.u32 s3;
	[sflag:s5] =	ssyncpa.u1 $0x0;
	s6 =	sadd.s32 s7, s6  }
0xb: {  	[sflag:s8] =	ssyncpa.u1 $0x0;
	s8 =	simm.s32 $0x0;
	s7 =	sadd.s32 $0x1, s6  }
.LBB1_9:
0xc: {  	s14 =	sadd.s32 $0x80, s10  }
0xd: {  	p1 =	sgt.s32 s14, $0x1FFF  }
0xe: {  	s14 =	smov.u32 @p1 s3;
	p1 =	sne.s32 s11, s7  }
.Ltmp1:
0xf: {  	p0 =	slt.u32 s11, $0x2;
	(pc) =	sbr.rel @!p1 .LBB1_10-.Ltmp1, $4  }
0x10: {  	s13 =	simm.s32 @!p0 $0x2  }
0x11: {  	s15 =	sadd.s32 $0x1, s11;
	_ =	swait.ge @!p0 [sflag:s13], $0x4000  }
0x12: {  	s12 =	smov.u32 s10;
	s9 =	sadd.s32 $0x4000, s9;
	[sflag:s13] =	ssyncset.done @!p0 $0x0  }
0x13: {  	s11 =	smov.u32 s15;
	s10 =	smov.u32 s14;
	[sflag:s13] =	ssyncadd.s32 @!p0 $0xFFFFC000  }
.LBB1_1:
0x14: {  	p0 =	sge.u32 s11, s6  }
0x15: {  	s13 =	sxor.u32 @!p0 $0xFFFFFFFF, s11  }
0x16: {  	s31 =	sadd.s32 $0xFFFFFFFF, s11;
	s14 =	sshll.u32 @!p0 s10, $0x9;
	s13 =	sshll.u32 @!p0 s13, $0xE  }
0x17: {  	s15 =	simm.s32 @!p0 $0x0;
	s14 =	sadd.s32 @!p0 s2, s14;
	s13 =	sand.u32 @!p0 $0x4000, s13  }
0x18: {  	[tilespmem:s13], [sflag:$0x1] =	stream.linear.gather @!p0 [hbm4b:s14+s15], $0x4000, $0x38;
	[tilespmem:$0x10000] =	vst v63  }
0x19: {  	p0 =	sge.u32 s31, s6  }
.Ltmp2:
0x1a: {  	_ = 	snop;
	(pc) =	sbr.rel @p0 .LBB1_9-.Ltmp2, $1  }
0x1b: {  	_ =	sdelay $0x3  }
0x1c: {  	s14 =	sand.u32 $0x4000, s9  }
0x1d: {  	_ =	swait.ge [sflag:s5], $0x4000;
	s15 =	sshll.u32 s11, $0xE;
	s16 =	simm.s32 $0x0  }
0x1e: {  	s13 =	sor.u32 $0x40, s14;
	[sflag:s5] =	ssyncset.done $0x0;
	s15 =	sand.u32 $0x4000, s15  }
0x1f: {  	s14 =	sor.u32 $0x8040, s14;
	[sflag:s5] =	ssyncadd.s32 $0xFFFFC000;
	s15 =	sor.u32 $0x8000, s15  }
.LBB1_3:
0x20: {  	s17 =	smov.u32 s14;
	s18 =	smov.u32 s13;
	s19 =	simm.s32 $0x0  }
.LBB1_4:
0x21: {  	v0 =	vmov s17;
	v2 =	vld [tilespmem:s18+$0x30]  }
0x22: {  	v4 =	vld [tilespmem:s18+$0xFFFFFFD0]  }
0x23: {  	v6 =	vld [tilespmem:s18+$0xFFFFFFE0]  }
0x24: {  	v7 =	vld [tilespmem:s18+$0xFFFFFFF0]  }
0x25: {  	s20 =	simm.s32 $0x0;
	v1 =	vld [tilespmem:s18+$0x0]  }
0x26: {  	v3 =	vld [tilespmem:s18+$0x10];
	[tilespmem:v0+s20+$0x30 ss:$0x1] =	vst.idx.msk $0xffff, v2  }
0x27: {  	v5 =	vld [tilespmem:s18+$0x20];
	[tilespmem:v0+s20+$0xFFFFFFD0 ss:$0x1] =	vst.idx.msk $0xffff, v4  }
0x28: {  	s21 =	sadd.s32 $0x80, s18;
	v2 =	vld [tilespmem:s18+$0xFFFFFFC0];
	[tilespmem:v0+s20+$0xFFFFFFE0 ss:$0x1] =	vst.idx.msk $0xffff, v6  }
0x29: {  	s22 =	simm.s32 $0x800;
	s23 =	simm.s32 $0x1000;
	v4 =	vld [tilespmem:s21+$0x30];
	[tilespmem:v0+s20+$0xFFFFFFF0 ss:$0x1] =	vst.idx.msk $0xffff, v7  }
.LBB1_5:
0x2a: {  	p0 =	sne.s32 s23, $0x3800;
	v6 =	vld [tilespmem:s21+$0xFFFFFFD0];
	[tilespmem:v0+s20+$0x0 ss:$0x1] =	vst.idx.msk $0xffff, v1  }
0x2b: {  	v7 =	vld [tilespmem:s21+$0xFFFFFFE0];
	[tilespmem:v0+s20+$0x10 ss:$0x1] =	vst.idx.msk $0xffff, v3  }
0x2c: {  	v8 =	vld [tilespmem:s21+$0xFFFFFFF0];
	[tilespmem:v0+s20+$0x20 ss:$0x1] =	vst.idx.msk $0xffff, v5  }
.Ltmp3:
0x2d: {  	v1 =	vld [tilespmem:s21+$0x0];
	[tilespmem:v0+s20+$0xFFFFFFC0 ss:$0x1] =	vst.idx.msk $0xffff, v2;
	s20 =	sshra.s32 s22, $0x2;
	s22 =	smov.u32 s23;
	(pc) =	sbr.rel @p0 .LBB1_5-.Ltmp3, $4  }
0x2e: {  	v3 =	vld [tilespmem:s21+$0x10];
	[tilespmem:v0+s20+$0x30 ss:$0x1] =	vst.idx.msk $0xffff, v4  }
0x2f: {  	[tilespmem:v0+s20+$0xFFFFFFD0 ss:$0x1] =	vst.idx.msk $0xffff, v6;
	v5 =	vld [tilespmem:s21+$0x20]  }
0x30: {  	v2 =	vld [tilespmem:s21+$0xFFFFFFC0];
	[tilespmem:v0+s20+$0xFFFFFFE0 ss:$0x1] =	vst.idx.msk $0xffff, v7;
	s21 =	sadd.s32 $0x80, s21  }
0x31: {  	s23 =	sadd.s32 $0x800, s23;
	v4 =	vld [tilespmem:s21+$0x30];
	[tilespmem:v0+s20+$0xFFFFFFF0 ss:$0x1] =	vst.idx.msk $0xffff, v8  }
0x32: {  	_ =	sdelay $0x3  }
0x33: {  	v6 =	vld [tilespmem:s21+$0xFFFFFFD0];
	[tilespmem:v0+s20+$0x0 ss:$0x1] =	vst.idx.msk $0xffff, v1  }
0x34: {  	v58 =	vld [tilespmem:s21+$0xFFFFFFE0];
	[tilespmem:v0+s20+$0x10 ss:$0x1] =	vst.idx.msk $0xffff, v3  }
0x35: {  	v59 =	vld [tilespmem:s21+$0xFFFFFFF0];
	[tilespmem:v0+s20+$0x20 ss:$0x1] =	vst.idx.msk $0xffff, v5  }
0x36: {  	s22 =	sshra.s32 s22, $0x2;
	v60 =	vld [tilespmem:s21+$0x0];
	[tilespmem:v0+s20+$0xFFFFFFC0 ss:$0x1] =	vst.idx.msk $0xffff, v2  }
0x37: {  	v61 =	vld [tilespmem:s21+$0x10];
	[tilespmem:v0+s22+$0x30 ss:$0x1] =	vst.idx.msk $0xffff, v4  }
0x38: {  	v62 =	vld [tilespmem:s21+$0x20];
	s19 =	sadd.s32 $0x1, s19;
	[tilespmem:v0+s22+$0xFFFFFFD0 ss:$0x1] =	vst.idx.msk $0xffff, v6  }
0x39: {  	v63 =	vld [tilespmem:s21+$0xFFFFFFC0];
	p0 =	sne.s32 s19, $0x4;
	[tilespmem:v0+s22+$0xFFFFFFE0 ss:$0x1] =	vst.idx.msk $0xffff, v58  }
.Ltmp4:
0x3a: {  	[tilespmem:v0+s22+$0xFFFFFFF0 ss:$0x1] =	vst.idx.msk $0xffff, v59;
	(pc) =	sbr.rel @p0 .LBB1_4-.Ltmp4, $4  }
0x3b: {  	[tilespmem:v0+s22+$0x0 ss:$0x1] =	vst.idx.msk $0xffff, v60  }
0x3c: {  	[tilespmem:v0+s22+$0x10 ss:$0x1] =	vst.idx.msk $0xffff, v61  }
0x3d: {  	[tilespmem:v0+s22+$0x20 ss:$0x1] =	vst.idx.msk $0xffff, v62  }
0x3e: {  	s18 =	sadd.s32 $0x400, s18;
	s17 =	sadd.s32 $0x80, s17;
	[tilespmem:v0+s22+$0xFFFFFFC0 ss:$0x1] =	vst.idx.msk $0xffff, v63  }
0x3f: {  	s16 =	sadd.s32 $0x1, s16  }
0x40: {  	p0 =	sne.s32 s16, $0x4  }
.Ltmp5:
0x41: {  	_ = 	snop;
	(pc) =	sbr.rel @p0 .LBB1_3-.Ltmp5, $2  }
0x42: {  	_ =	sdelay $0x2  }
0x43: {  	s13 =	sadd.s32 $0x1000, s13;
	s14 =	sadd.s32 $0x1000, s14  }
.Ltmp6:
0x44: {  	(pc) =	sbr.rel .LBB1_9-.Ltmp6, $4  }
0x45: {  	_ = 	snop  }
0x46: {  	s12 =	sshll.u32 s12, $0x9  }
0x47: {  	s12 =	sadd.s32 s4, s12  }
0x48: {  	[hbm4b:s12+s8] =	stream.linear.scatter [tilespmem:s15], [sflag:$0x2], $0x4000, $0x38;
	[tilespmem:$0x10000] =	vst v63  }
.LBB1_10:
0x49: {  	_ =	sfence.sel $0x180000  }
0x4a: {  	s2 =	simm.s32 $0x1;
	[bflag:$0x0] =	sbarrier.arrive $0xFFFF  }
0x4b: {  	s31 =	simm.s32 $0x2;
	[sflag:s2] =	ssyncpa.u1 $0x1  }
0x4c: {  	[sflag:s31] =	ssyncpa.u1 $0x1  }
0x4d: {  	p0 =	sne.s32 s0, $0x0;
	_ =	strace $0x90000047  }
0x4e: {  	s0 =	sadd.s32 @!p0 $0x100000, s1;
	[bflag:$0x2] =	sbarrier.arrive $0xFFFF  }
0x4f: {  	[sflag:s0] =	ssyncadd.tile.s32 @!p0 $0x1;
	_ =	shalt  }
.Lfunc_end1:
_tile_overlayer_lowered:
.L_overlay_start_2:
0x50: {  	(tag) =	ssettag $0x2  }
0x51: {  	s0 =	rddreg [dreg:$0x0];
	s2 =	stileid.u32  }
0x52: {  	s1 =	rddreg [dreg:$0x1];
	p0 =	sne.s32 s2, $0x0  }
0x53: {  	s3 =	rddreg [dreg:$0x2];
	[bflag:$0x3] =	sbarrier.arrive $0xFFFF;
	s2 =	simm.s32 @!p0 $0x1C01  }
0x54: {  	[timem:s3], [sflag:s2] =	dma.local @!p0 [hbm:s0], s1  }
0x55: {  	s0 =	simm.s32 @!p0 $0x1  }
0x56: {  	_ =	swait.ge @!p0 [sflag:s0], s1  }
0x57: {  	s1 =	ssub.s32 @!p0 $0x0, s1;
	[sflag:s0] =	ssyncset.done @!p0 $0x0  }
0x58: {  	[sflag:s0] =	ssyncadd.s32 @!p0 s1  }
0x59: {  	[bflag:$0x3] =	sbarrier.arrive $0xFFFF  }
0x5a: {  	_ =	shalt  }

</sc_bundles>
